<compile_context>
chip_gen: v7x
topology: tpu7x:2x2x1
jax: 0.10.2.dev20260603
libtpu: 0.0.44.dev20260713+nightly
codegen_flags: <defaults>
</compile_context>

<pallas_src>
import math

import jax
import jax.numpy as jnp
from jax.experimental import pallas as pl

_CK = 64
_HW = 1024
_T = 16384
_TOPK = 30
_QT = 128
_NQT = _HW // _QT
_KC = 1024
_NKC = _T // _KC
_CV2 = 1024


def _affinity_kernel(qk_ref, qs_ref, mk_ref, shr_ref, aff_ref):
    qk = qk_ref[...]
    qs = qs_ref[...]
    mk = mk_ref[...]
    a_sq = jax.lax.dot_general(
        qs, mk * mk, (((0,), (0,)), ((), ())),
        preferred_element_type=jnp.float32)
    two_ab = 2.0 * jax.lax.dot_general(
        qk * qs, mk, (((0,), (0,)), ((), ())),
        preferred_element_type=jnp.float32)
    bsq = jnp.sum(qs * qk * qk, axis=0)[:, None]
    sim = (-a_sq + two_ab - bsq) * shr_ref[...] / math.sqrt(_CK)

    cm = jnp.maximum(
        jnp.maximum(jnp.maximum(sim[:, 0:2048], sim[:, 2048:4096]),
                    jnp.maximum(sim[:, 4096:6144], sim[:, 6144:8192])),
        jnp.maximum(jnp.maximum(sim[:, 8192:10240], sim[:, 10240:12288]),
                    jnp.maximum(sim[:, 12288:14336], sim[:, 14336:16384])))

    def dbody(_, m):
        cand = jnp.where(cm < m, cm, -jnp.inf)
        return jnp.max(cand, axis=1, keepdims=True)

    th0 = jax.lax.fori_loop(
        0, _TOPK, dbody, jnp.full((_QT, 1), jnp.inf, jnp.float32))

    def cond(state):
        _, n = state
        return jnp.any(n > _TOPK)

    def wbody(state):
        th, n = state
        nxt = jnp.min(jnp.where(sim > th, sim, jnp.inf), axis=1,
                      keepdims=True)
        th2 = jnp.where(n > _TOPK, nxt, th)
        n2 = jnp.sum((sim >= th2).astype(jnp.float32), axis=1,
                     keepdims=True)
        return th2, n2

    n0 = jnp.sum((sim >= th0).astype(jnp.float32), axis=1, keepdims=True)
    thr, _ = jax.lax.while_loop(cond, wbody, (th0, n0))
    p = jnp.where(sim >= thr, jnp.exp(sim), 0.0)
    aff_ref[...] = p / jnp.sum(p, axis=1, keepdims=True)


def _readout_kernel(aff_ref, vt_ref, out_ref):
    @pl.when(pl.program_id(0) == 0)
    def _():
        out_ref[...] = jnp.zeros_like(out_ref)

    out_ref[...] += jnp.dot(
        aff_ref[...], vt_ref[...],
        preferred_element_type=jnp.float32)


def kernel(q_key, q_selection, mem_key, mem_shrinkage, mem_value):
    qk = q_key.reshape(_CK, _HW)
    qs = q_selection.reshape(_CK, _HW)
    mk = mem_key.reshape(_CK, _T)
    shr = mem_shrinkage.reshape(1, _T)
    vt = mem_value.reshape(_CV2, _T).T

    aff = pl.pallas_call(
        _affinity_kernel,
        grid=(_NQT,),
        in_specs=[
            pl.BlockSpec((_CK, _QT), lambda i: (0, i)),
            pl.BlockSpec((_CK, _QT), lambda i: (0, i)),
            pl.BlockSpec((_CK, _T), lambda i: (0, 0)),
            pl.BlockSpec((1, _T), lambda i: (0, 0)),
        ],
        out_specs=pl.BlockSpec((_QT, _T), lambda i: (i, 0)),
        out_shape=jax.ShapeDtypeStruct((_HW, _T), jnp.float32),
    )(qk, qs, mk, shr)

    out = pl.pallas_call(
        _readout_kernel,
        grid=(_NKC,),
        in_specs=[
            pl.BlockSpec((_HW, _KC), lambda k: (0, k)),
            pl.BlockSpec((_KC, _CV2), lambda k: (k, 0)),
        ],
        out_specs=pl.BlockSpec((_HW, _CV2), lambda k: (0, 0)),
        out_shape=jax.ShapeDtypeStruct((_HW, _CV2), jnp.float32),
    )(aff, vt)

    return out.T.reshape(2, 512, 32, 32)

# --- scband reference (transcript-rebuilt; emitter-appended) ---
"""Pipeline reference for scband-xmem-11716670783841 (READ-ONLY COPY).

The authoritative reference and input builder live on the scoring server;
editing this copy changes nothing except your own understanding.
"""

import jax, jax.numpy as jnp
import numpy as np
import math

H = 32
W = 32
HW = H * W
S_TOTAL = 16  # WORK_SIZE + LONG_SIZE, caches assumed full
T = S_TOTAL * HW
CK = 64
CV = 512
TOP_K = 30


def setup_inputs(seed: int = 0) -> dict:
    key = jax.random.key(seed)
    k1, k2, k3, k4, k5 = jax.random.split(key, 5)
    q_key = jax.random.normal(k1, (1, CK, H, W), dtype=jnp.float32)
    q_selection = jax.random.uniform(k2, (1, CK, H, W), dtype=jnp.float32)
    # memory state (work + long caches concatenated, assumed full)
    mem_key = jax.random.normal(k3, (1, CK, T), dtype=jnp.float32)
    mem_shrinkage = jax.random.uniform(k4, (1, T, 1), dtype=jnp.float32) + 1.0
    mem_value = jax.random.normal(k5, (2, CV, T), dtype=jnp.float32)
    return {
        "q_key": q_key,
        "q_selection": q_selection,
        "mem_key": mem_key,
        "mem_shrinkage": mem_shrinkage,
        "mem_value": mem_value,
    }


def reference(q_key, q_selection, mem_key, mem_shrinkage, mem_value):
    qk = q_key.reshape(1, CK, HW)
    qs = q_selection.reshape(1, CK, HW)
    # get_similarity
    mk = jnp.swapaxes(mem_key, 1, 2)              # [1, T, CK]
    a_sq = jnp.matmul(mk ** 2, qs)                # [1, T, HW]
    two_ab = 2.0 * jnp.matmul(mk, qk * qs)        # [1, T, HW]
    b_sq = jnp.sum(qs * (qk ** 2), axis=1, keepdims=True)  # [1, 1, HW]
    similarity = (-a_sq + two_ab - b_sq) * mem_shrinkage / math.sqrt(CK)
    # do_softmax: topk along memory dim (axis=1)
    simT = jnp.swapaxes(similarity, 1, 2)         # [1, HW, T]
    vals, idx = jax.lax.top_k(simT, TOP_K)        # [1, HW, TOP_K]
    x_exp = jnp.exp(vals)
    x_exp = x_exp / jnp.sum(x_exp, axis=-1, keepdims=True)
    b_idx = jnp.arange(1)[:, None, None]
    h_idx = jnp.arange(HW)[None, :, None]
    aff = jnp.zeros_like(simT).at[b_idx, h_idx, idx].set(x_exp)
    affinity = jnp.swapaxes(aff, 1, 2)            # [1, T, HW]
    # weighted value readout
    final_value = jnp.matmul(mem_value, affinity)  # [2, CV, HW]
    return final_value.reshape(2, CV, H, W)

if __name__ == "__main__":
    import jax
    _d = setup_inputs()
    print(jax.jit(kernel)(*tuple(_d.values())))

</pallas_src>

<mosaic_0001>
module attributes {stable_mosaic.version = 14 : i64} {
  func.func @_affinity_kernel(%arg0: i32, %arg1: memref<64x128xf32, #tpu.memory_space<vmem>>, %arg2: memref<64x128xf32, #tpu.memory_space<vmem>>, %arg3: memref<64x16384xf32, #tpu.memory_space<vmem>>, %arg4: memref<1x16384xf32, #tpu.memory_space<vmem>>, %arg5: memref<128x16384xf32, #tpu.memory_space<vmem>>) attributes {dimension_semantics = [#tpu.dimension_semantics<arbitrary>], iteration_bounds = array<i64: 8>, scalar_prefetch = 0 : i64, scratch_operands = 0 : i64, tpu.core_type = #tpu.core_type<tc>, window_params = [{transform_indices = @transform_0, window_bounds = array<i64: 64, 128>}, {transform_indices = @transform_1, window_bounds = array<i64: 64, 128>}, {pipeline_mode = #tpu.pipeline_mode<synchronous>, transform_indices = @transform_2, window_bounds = array<i64: 64, 16384>}, {pipeline_mode = #tpu.pipeline_mode<synchronous>, transform_indices = @transform_3, window_bounds = array<i64: 1, 16384>}, {transform_indices = @transform_4, window_bounds = array<i64: 128, 16384>}]} {
    %get3A = arith.constant 0 : index
    %get3A_0 = arith.constant 0 : index
    %get3A_1 = vector.load %arg1[%get3A, %get3A_0] : memref<64x128xf32, #tpu.memory_space<vmem>>, vector<64x128xf32>
    %get3A_2 = arith.constant 0 : index
    %get3A_3 = arith.constant 0 : index
    %get3A_4 = vector.load %arg2[%get3A_2, %get3A_3] : memref<64x128xf32, #tpu.memory_space<vmem>>, vector<64x128xf32>
    %get3A_5 = arith.constant 0 : index
    %get3A_6 = arith.constant 0 : index
    %get3A_7 = vector.load %arg3[%get3A_5, %get3A_6] : memref<64x16384xf32, #tpu.memory_space<vmem>>, vector<64x16384xf32>
    %mul3A = arith.mulf %get3A_7, %get3A_7 : vector<64x16384xf32>
    %dot_general3A = arith.constant dense<0.000000e+00> : vector<128x16384xf32>
    %dot_general3A_8 = tpu.matmul %get3A_4, %mul3A, %dot_general3A {dimension_numbers = #tpu.dot_dimension_numbers<[0], [0], [1], [1], [0, 1, 1, 1], [], []>, transpose_lhs_hint = false} : vector<64x128xf32>, vector<64x16384xf32>, vector<128x16384xf32> -> vector<128x16384xf32>
    %mul3A_9 = arith.mulf %get3A_1, %get3A_4 : vector<64x128xf32>
    %dot_general3A_10 = arith.constant dense<0.000000e+00> : vector<128x16384xf32>
    %dot_general3A_11 = tpu.matmul %mul3A_9, %get3A_7, %dot_general3A_10 {dimension_numbers = #tpu.dot_dimension_numbers<[0], [0], [1], [1], [0, 1, 1, 1], [], []>, transpose_lhs_hint = false} : vector<64x128xf32>, vector<64x16384xf32>, vector<128x16384xf32> -> vector<128x16384xf32>
    %mul3A_12 = arith.constant 2.000000e+00 : f32
    %mul3A_13 = vector.broadcast %mul3A_12 : f32 to vector<128x16384xf32>
    %mul3A_14 = arith.mulf %mul3A_13, %dot_general3A_11 : vector<128x16384xf32>
    %mul3A_15 = arith.mulf %get3A_4, %get3A_1 : vector<64x128xf32>
    %mul3A_16 = arith.mulf %mul3A_15, %get3A_1 : vector<64x128xf32>
    %reduce_sum3A = arith.constant dense<0.000000e+00> : vector<128xf32>
    %reduce_sum3A_17 = vector.multi_reduction <add>, %mul3A_16, %reduce_sum3A [0] : vector<64x128xf32> to vector<128xf32>
    %broadcast_in_dim3A = vector.shape_cast %reduce_sum3A_17 : vector<128xf32> to vector<128x1xf32>
    %neg3A = arith.constant 0.000000e+00 : f32
    %neg3A_18 = vector.broadcast %neg3A : f32 to vector<128x16384xf32>
    %neg3A_19 = arith.subf %neg3A_18, %dot_general3A_8 : vector<128x16384xf32>
    %add3A = arith.addf %neg3A_19, %mul3A_14 : vector<128x16384xf32>
    %sub3A = vector.broadcast %broadcast_in_dim3A : vector<128x1xf32> to vector<128x16384xf32>
    %sub3A_20 = arith.subf %add3A, %sub3A : vector<128x16384xf32>
    %get3A_21 = arith.constant 0 : index
    %get3A_22 = arith.constant 0 : index
    %get3A_23 = vector.load %arg4[%get3A_21, %get3A_22] : memref<1x16384xf32, #tpu.memory_space<vmem>>, vector<1x16384xf32>
    %mul3A_24 = vector.broadcast %get3A_23 : vector<1x16384xf32> to vector<128x16384xf32>
    %mul3A_25 = arith.mulf %sub3A_20, %mul3A_24 : vector<128x16384xf32>
    %div3A = arith.constant 8.000000e+00 : f32
    %div3A_26 = vector.broadcast %div3A : f32 to vector<128x16384xf32>
    %div3A_27 = arith.divf %mul3A_25, %div3A_26 : vector<128x16384xf32>
    %slice3A = vector.extract_strided_slice %div3A_27 {offsets = [0, 0], sizes = [128, 2048], strides = [1, 1]} : vector<128x16384xf32> to vector<128x2048xf32>
    %slice3A_28 = vector.extract_strided_slice %div3A_27 {offsets = [0, 2048], sizes = [128, 2048], strides = [1, 1]} : vector<128x16384xf32> to vector<128x2048xf32>
    %max3A = arith.maximumf %slice3A, %slice3A_28 : vector<128x2048xf32>
    %slice3A_29 = vector.extract_strided_slice %div3A_27 {offsets = [0, 4096], sizes = [128, 2048], strides = [1, 1]} : vector<128x16384xf32> to vector<128x2048xf32>
    %slice3A_30 = vector.extract_strided_slice %div3A_27 {offsets = [0, 6144], sizes = [128, 2048], strides = [1, 1]} : vector<128x16384xf32> to vector<128x2048xf32>
    %max3A_31 = arith.maximumf %slice3A_29, %slice3A_30 : vector<128x2048xf32>
    %max3A_32 = arith.maximumf %max3A, %max3A_31 : vector<128x2048xf32>
    %slice3A_33 = vector.extract_strided_slice %div3A_27 {offsets = [0, 8192], sizes = [128, 2048], strides = [1, 1]} : vector<128x16384xf32> to vector<128x2048xf32>
    %slice3A_34 = vector.extract_strided_slice %div3A_27 {offsets = [0, 10240], sizes = [128, 2048], strides = [1, 1]} : vector<128x16384xf32> to vector<128x2048xf32>
    %max3A_35 = arith.maximumf %slice3A_33, %slice3A_34 : vector<128x2048xf32>
    %slice3A_36 = vector.extract_strided_slice %div3A_27 {offsets = [0, 12288], sizes = [128, 2048], strides = [1, 1]} : vector<128x16384xf32> to vector<128x2048xf32>
    %slice3A_37 = vector.extract_strided_slice %div3A_27 {offsets = [0, 14336], sizes = [128, 2048], strides = [1, 1]} : vector<128x16384xf32> to vector<128x2048xf32>
    %max3A_38 = arith.maximumf %slice3A_36, %slice3A_37 : vector<128x2048xf32>
    %max3A_39 = arith.maximumf %max3A_35, %max3A_38 : vector<128x2048xf32>
    %max3A_40 = arith.maximumf %max3A_32, %max3A_39 : vector<128x2048xf32>
    %broadcast_in_dim3A_41 = arith.constant 0x7F800000 : f32
    %broadcast_in_dim3A_42 = vector.broadcast %broadcast_in_dim3A_41 : f32 to vector<128x1xf32>
    %scan3A = arith.constant 0 : i32
    %scan3A_43 = arith.constant 30 : i32
    %scan3A_44 = arith.addi %scan3A, %scan3A_43 : i32
    %scan3A_45 = arith.constant 1 : i32
    %scan3A_46 = scf.for %scan3A_62 = %scan3A to %scan3A_44 step %scan3A_45 iter_args(%scan3A_63 = %broadcast_in_dim3A_42) -> (vector<128x1xf32>)  : i32 {
      %lt3A = vector.broadcast %scan3A_63 : vector<128x1xf32> to vector<128x2048xf32>
      %lt3A_64 = arith.cmpf olt, %max3A_40, %lt3A : vector<128x2048xf32>
      %jit3A_65 = arith.constant 0xFF800000 : f32
      %broadcast_in_dim3A_66 = vector.broadcast %jit3A_65 : f32 to vector<128x2048xf32>
      %select_n3A_67 = arith.select %lt3A_64, %max3A_40, %broadcast_in_dim3A_66 : vector<128x2048xi1>, vector<128x2048xf32>
      %reduce_max3A = arith.constant dense<0xFF800000> : vector<128xf32>
      %reduce_max3A_68 = vector.multi_reduction <maximumf>, %select_n3A_67, %reduce_max3A [1] : vector<128x2048xf32> to vector<128xf32>
      %broadcast_in_dim3A_69 = vector.shape_cast %reduce_max3A_68 : vector<128xf32> to vector<128x1xf32>
      scf.yield %broadcast_in_dim3A_69 : vector<128x1xf32>
    }
    %ge3A = vector.broadcast %scan3A_46 : vector<128x1xf32> to vector<128x16384xf32>
    %ge3A_47 = arith.cmpf oge, %div3A_27, %ge3A : vector<128x16384xf32>
    %convert_element_type3A = arith.extui %ge3A_47 : vector<128x16384xi1> to vector<128x16384xi32>
    %convert_element_type3A_48 = arith.sitofp %convert_element_type3A : vector<128x16384xi32> to vector<128x16384xf32>
    %reduce_sum3A_49 = arith.constant dense<0.000000e+00> : vector<128xf32>
    %reduce_sum3A_50 = vector.multi_reduction <add>, %convert_element_type3A_48, %reduce_sum3A_49 [1] : vector<128x16384xf32> to vector<128xf32>
    %broadcast_in_dim3A_51 = vector.shape_cast %reduce_sum3A_50 : vector<128xf32> to vector<128x1xf32>
    %while3A:2 = scf.while (%while3A_62 = %scan3A_46, %while3A_63 = %broadcast_in_dim3A_51) : (vector<128x1xf32>, vector<128x1xf32>) -> (vector<128x1xf32>, vector<128x1xf32>) {
      %gt3A = arith.constant 3.000000e+01 : f32
      %gt3A_64 = vector.broadcast %gt3A : f32 to vector<128x1xf32>
      %gt3A_65 = arith.cmpf ogt, %while3A_63, %gt3A_64 : vector<128x1xf32>
      %reduce_or3A = arith.constant 1.000000e+00 : f32
      %reduce_or3A_66 = arith.constant 0.000000e+00 : f32
      %reduce_or3A_67 = vector.broadcast %reduce_or3A : f32 to vector<128x1xf32>
      %reduce_or3A_68 = vector.broadcast %reduce_or3A_66 : f32 to vector<128x1xf32>
      %reduce_or3A_69 = arith.select %gt3A_65, %reduce_or3A_67, %reduce_or3A_68 : vector<128x1xi1>, vector<128x1xf32>
      %reduce_or3A_70 = vector.shape_cast %reduce_or3A_69 : vector<128x1xf32> to vector<1x128x1xf32>
      %reduce_or3A_71 = arith.constant dense<0xFF800000> : vector<1xf32>
      %reduce_or3A_72 = vector.multi_reduction <maximumf>, %reduce_or3A_70, %reduce_or3A_71 [1, 2] : vector<1x128x1xf32> to vector<1xf32>
      %reduce_or3A_73 = vector.shape_cast %reduce_or3A_72 : vector<1xf32> to vector<1x1x1xf32>
      %reduce_or3A_74 = vector.extract %reduce_or3A_73[0, 0, 0] : f32 from vector<1x1x1xf32>
      %reduce_or3A_75 = arith.constant 0.000000e+00 : f32
      %reduce_or3A_76 = arith.cmpf ogt, %reduce_or3A_74, %reduce_or3A_75 : f32
      scf.condition(%reduce_or3A_76) %while3A_62, %while3A_63 : vector<128x1xf32>, vector<128x1xf32>
    } do {
    ^bb0(%while3A_62: vector<128x1xf32>, %while3A_63: vector<128x1xf32>):
      %gt3A = vector.broadcast %while3A_62 : vector<128x1xf32> to vector<128x16384xf32>
      %gt3A_64 = arith.cmpf ogt, %div3A_27, %gt3A : vector<128x16384xf32>
      %jit3A_65 = arith.constant 0x7F800000 : f32
      %broadcast_in_dim3A_66 = vector.broadcast %jit3A_65 : f32 to vector<128x16384xf32>
      %select_n3A_67 = arith.select %gt3A_64, %div3A_27, %broadcast_in_dim3A_66 : vector<128x16384xi1>, vector<128x16384xf32>
      %reduce_min3A = arith.constant dense<0x7F800000> : vector<128xf32>
      %reduce_min3A_68 = vector.multi_reduction <minimumf>, %select_n3A_67, %reduce_min3A [1] : vector<128x16384xf32> to vector<128xf32>
      %broadcast_in_dim3A_69 = vector.shape_cast %reduce_min3A_68 : vector<128xf32> to vector<128x1xf32>
      %gt3A_70 = arith.constant 3.000000e+01 : f32
      %gt3A_71 = vector.broadcast %gt3A_70 : f32 to vector<128x1xf32>
      %gt3A_72 = arith.cmpf ogt, %while3A_63, %gt3A_71 : vector<128x1xf32>
      %select_n3A_73 = arith.select %gt3A_72, %broadcast_in_dim3A_69, %while3A_62 : vector<128x1xi1>, vector<128x1xf32>
      %ge3A_74 = vector.broadcast %select_n3A_73 : vector<128x1xf32> to vector<128x16384xf32>
      %ge3A_75 = arith.cmpf oge, %div3A_27, %ge3A_74 : vector<128x16384xf32>
      %convert_element_type3A_76 = arith.extui %ge3A_75 : vector<128x16384xi1> to vector<128x16384xi32>
      %convert_element_type3A_77 = arith.sitofp %convert_element_type3A_76 : vector<128x16384xi32> to vector<128x16384xf32>
      %reduce_sum3A_78 = arith.constant dense<0.000000e+00> : vector<128xf32>
      %reduce_sum3A_79 = vector.multi_reduction <add>, %convert_element_type3A_77, %reduce_sum3A_78 [1] : vector<128x16384xf32> to vector<128xf32>
      %broadcast_in_dim3A_80 = vector.shape_cast %reduce_sum3A_79 : vector<128xf32> to vector<128x1xf32>
      scf.yield %select_n3A_73, %broadcast_in_dim3A_80 : vector<128x1xf32>, vector<128x1xf32>
    }
    %ge3A_52 = vector.broadcast %while3A#0 : vector<128x1xf32> to vector<128x16384xf32>
    %ge3A_53 = arith.cmpf oge, %div3A_27, %ge3A_52 : vector<128x16384xf32>
    %exp3A = math.exp %div3A_27 : vector<128x16384xf32>
    %jit3A = arith.constant 0.000000e+00 : f32
    %broadcast_in_dim3A_54 = vector.broadcast %jit3A : f32 to vector<128x16384xf32>
    %select_n3A = arith.select %ge3A_53, %exp3A, %broadcast_in_dim3A_54 : vector<128x16384xi1>, vector<128x16384xf32>
    %reduce_sum3A_55 = arith.constant dense<0.000000e+00> : vector<128xf32>
    %reduce_sum3A_56 = vector.multi_reduction <add>, %select_n3A, %reduce_sum3A_55 [1] : vector<128x16384xf32> to vector<128xf32>
    %broadcast_in_dim3A_57 = vector.shape_cast %reduce_sum3A_56 : vector<128xf32> to vector<128x1xf32>
    %div3A_58 = vector.broadcast %broadcast_in_dim3A_57 : vector<128x1xf32> to vector<128x16384xf32>
    %div3A_59 = arith.divf %select_n3A, %div3A_58 : vector<128x16384xf32>
    %swap3A = arith.constant 0 : index
    %swap3A_60 = arith.constant 0 : index
    %swap3A_61 = vector.load %arg5[%swap3A, %swap3A_60] : memref<128x16384xf32, #tpu.memory_space<vmem>>, vector<128x16384xf32>
    tpu.vector_store %arg5[%swap3A, %swap3A_60], %div3A_59 {strides = array<i32>} : memref<128x16384xf32, #tpu.memory_space<vmem>>, vector<128x16384xf32>,
    return
  }
  func.func @transform_0(%arg0: i32) -> (i32, i32) {
    %c0_i32 = arith.constant 0 : i32
    %c0_i32_0 = arith.constant 0 : i32
    return %c0_i32, %arg0 : i32, i32
  }
  func.func @transform_1(%arg0: i32) -> (i32, i32) {
    %c0_i32 = arith.constant 0 : i32
    %c0_i32_0 = arith.constant 0 : i32
    return %c0_i32, %arg0 : i32, i32
  }
  func.func @transform_2(%arg0: i32) -> (i32, i32) {
    %c0_i32 = arith.constant 0 : i32
    %c0_i32_0 = arith.constant 0 : i32
    %c0_i32_1 = arith.constant 0 : i32
    return %c0_i32, %c0_i32_0 : i32, i32
  }
  func.func @transform_3(%arg0: i32) -> (i32, i32) {
    %c0_i32 = arith.constant 0 : i32
    %c0_i32_0 = arith.constant 0 : i32
    %c0_i32_1 = arith.constant 0 : i32
    return %c0_i32, %c0_i32_0 : i32, i32
  }
  func.func @transform_4(%arg0: i32) -> (i32, i32) {
    %c0_i32 = arith.constant 0 : i32
    %c0_i32_0 = arith.constant 0 : i32
    return %arg0, %c0_i32 : i32, i32
  }
}

module attributes {stable_mosaic.version = 14 : i64} {
  func.func @_readout_kernel(%arg0: i32, %arg1: memref<1024x1024xf32, #tpu.memory_space<vmem>>, %arg2: memref<1024x1024xf32, #tpu.memory_space<vmem>>, %arg3: memref<1024x1024xf32, #tpu.memory_space<vmem>>) attributes {dimension_semantics = [#tpu.dimension_semantics<arbitrary>], iteration_bounds = array<i64: 16>, scalar_prefetch = 0 : i64, scratch_operands = 0 : i64, tpu.core_type = #tpu.core_type<tc>, window_params = [{transform_indices = @transform_0, window_bounds = array<i64: 1024, 1024>}, {transform_indices = @transform_1, window_bounds = array<i64: 1024, 1024>}, {pipeline_mode = #tpu.pipeline_mode<synchronous>, transform_indices = @transform_2, window_bounds = array<i64: 1024, 1024>}]} {
    %eq3A = arith.constant 0 : i32
    %eq3A_0 = arith.cmpi eq, %arg0, %eq3A : i32
    %convert_element_type3A = arith.extui %eq3A_0 : i1 to i32
    %cond3A = arith.constant 0 : i32
    %cond3A_1 = arith.cmpi ne, %convert_element_type3A, %cond3A : i32
    scf.if %cond3A_1 {
      %broadcast_in_dim3A = arith.constant 0.000000e+00 : f32
      %broadcast_in_dim3A_13 = vector.broadcast %broadcast_in_dim3A : f32 to vector<1024x1024xf32>
      %swap3A_14 = arith.constant 0 : index
      %swap3A_15 = arith.constant 0 : index
      %swap3A_16 = vector.load %arg3[%swap3A_14, %swap3A_15] : memref<1024x1024xf32, #tpu.memory_space<vmem>>, vector<1024x1024xf32>
      tpu.vector_store %arg3[%swap3A_14, %swap3A_15], %broadcast_in_dim3A_13 {strides = array<i32>} : memref<1024x1024xf32, #tpu.memory_space<vmem>>, vector<1024x1024xf32>,
    } else {
    }
    %get3A = arith.constant 0 : index
    %get3A_2 = arith.constant 0 : index
    %get3A_3 = vector.load %arg3[%get3A, %get3A_2] : memref<1024x1024xf32, #tpu.memory_space<vmem>>, vector<1024x1024xf32>
    %get3A_4 = arith.constant 0 : index
    %get3A_5 = arith.constant 0 : index
    %get3A_6 = vector.load %arg1[%get3A_4, %get3A_5] : memref<1024x1024xf32, #tpu.memory_space<vmem>>, vector<1024x1024xf32>
    %get3A_7 = arith.constant 0 : index
    %get3A_8 = arith.constant 0 : index
    %get3A_9 = vector.load %arg2[%get3A_7, %get3A_8] : memref<1024x1024xf32, #tpu.memory_space<vmem>>, vector<1024x1024xf32>
    %dot_general3A = arith.constant dense<0.000000e+00> : vector<1024x1024xf32>
    %dot_general3A_10 = tpu.matmul %get3A_6, %get3A_9, %dot_general3A {dimension_numbers = #tpu.dot_dimension_numbers<[1], [0], [0], [1], [0, 0, 1, 1], [], []>, transpose_lhs_hint = false} : vector<1024x1024xf32>, vector<1024x1024xf32>, vector<1024x1024xf32> -> vector<1024x1024xf32>
    %add3A = arith.addf %get3A_3, %dot_general3A_10 : vector<1024x1024xf32>
    %swap3A = arith.constant 0 : index
    %swap3A_11 = arith.constant 0 : index
    %swap3A_12 = vector.load %arg3[%swap3A, %swap3A_11] : memref<1024x1024xf32, #tpu.memory_space<vmem>>, vector<1024x1024xf32>
    tpu.vector_store %arg3[%swap3A, %swap3A_11], %add3A {strides = array<i32>} : memref<1024x1024xf32, #tpu.memory_space<vmem>>, vector<1024x1024xf32>,
    return
  }
  func.func @transform_0(%arg0: i32) -> (i32, i32) {
    %c0_i32 = arith.constant 0 : i32
    %c0_i32_0 = arith.constant 0 : i32
    return %c0_i32, %arg0 : i32, i32
  }
  func.func @transform_1(%arg0: i32) -> (i32, i32) {
    %c0_i32 = arith.constant 0 : i32
    %c0_i32_0 = arith.constant 0 : i32
    return %arg0, %c0_i32 : i32, i32
  }
  func.func @transform_2(%arg0: i32) -> (i32, i32) {
    %c0_i32 = arith.constant 0 : i32
    %c0_i32_0 = arith.constant 0 : i32
    %c0_i32_1 = arith.constant 0 : i32
    return %c0_i32, %c0_i32_0 : i32, i32
  }
}

</mosaic_0001>

<sc_bundles>
// kernel: sparse-core-data-format-call.cloned.1.call-start
scs
called_computation_lowered:
.L_overlay_start_0:
0x0: {  	s2 =	sld [smem:$0x3FD9]  }
0x1: {  	s3 =	sld [smem:$0x3FFE];
	_ =	sdelay $0x1  }
0x2: {  	s1 =	srdreg.scid  }
0x3: {  	s0 =	sand.u32 $0x1, s1  }
0x4: {  	s18 =	sshll.u32 s0, $0xA;
	s2 =	sadd.s32 s3, s2  }
0x5: {  	s2 =	sadd.s32 s2, s18  }
0x6: {  	[smem:$0x3FC3] =	sst s2  }
0x7: {  	_ = 	snop  }
0x8: {  	s2 =	sld [smem:$0x3FC5];
	(tm) =	ssettm $0x1  }
0x9: {  	s19 =	sld [smem:$0x3FFB];
	_ =	sdelay $0x3  }
0xa: {  	_ =	strace s19  }
0xb: {  	s3 =	sld [smem:$0x3FFC];
	_ =	sdelay $0x3  }
0xc: {  	_ =	strace s3  }
0xd: {  	s3 =	sld [smem:$0x3FFD];
	_ =	sdelay $0x3  }
0xe: {  	_ =	strace s3  }
0xf: {  	_ =	strace $0x8FFFFFFF  }
0x10: {  	s20 =	sld [smem:$0x3FDB];
	_ =	sdelay $0x1  }
0x11: {  	s4 =	simm.s32 $_scs_section_size  }
0x12: {  	s5 =	simm.s32 $_size__tile_overlayer_lowered;
	s6 =	simm.s32 $_tile_overlayer_lowered  }
0x13: {  	s23 =	simm.s32 $0x1BFF;
	s22 =	sshll.u32 s6, $0x1;
	s3 =	sadd.s32 s4, s20  }
0x14: {  	s7 =	simm.s32 $0x0;
	s21 =	sshll.u32 s5, $0x1;
	s5 =	sadd.s32 s22, s3  }
0x15: {  	[timem:s7], [sflag:s23] =	dma.local [hbm:s5], s21  }
0x16: {  	_ =	swait.ge [sflag:s23], s21  }
0x17: {  	s4 =	ssub.s32 $0x0, s21;
	[sflag:s23] =	ssyncset.done $0x0  }
0x18: {  	[sflag:s23] =	ssyncadd.s32 s4;
	_ =	sdelay $0x1  }
0x19: {  	s24 =	simm.s32 $0x1B8B  }
0x1a: {  	_ =	swait.ge [sflag:s24], $0x1  }
0x1b: {  	[sflag:s24] =	ssyncset.done $0x0  }
0x1c: {  	s26 =	simm.s32 $0x1B8E;
	s25 =	sld [smem:$0x3FFE];
	[sflag:s24] =	ssyncadd.s32 $0xFFFFFFFF  }
0x1d: {  	s27 =	simm.s32 $execute0_lowered;
	[smem:$0x3FD2] =	sst s26  }
0x1e: {  	s5 =	sshll.u32 s27, $0x1;
	_ =	strace $0x80000046;
	[dreg:$0x1] =	wrdreg $0xFFFFFFFF  }
0x1f: {  	s28 =	simm.s32 $_size_execute0_lowered;
	s3 =	sadd.s32 s3, s5;
	[dreg:$0x0] =	wrdreg $0x0  }
0x20: {  	s5 =	sshll.u32 s28, $0x1;
	[dreg:$0x2] =	wrdreg s3  }
0x21: {  	[dreg:$0x3] =	wrdreg s5  }
0x22: {  	[dreg:$0x4] =	wrdreg $0xC0  }
0x23: {  	_ =	task [dreg:s7], $0x5FFFF  }
0x24: {  	[dreg:$0x1] =	wrdreg $0xFFFFFFFF  }
0x25: {  	[dreg:$0x0] =	wrdreg $0x60  }
0x26: {  	[dreg:$0x2] =	wrdreg s2  }
0x27: {  	[dreg:$0x3] =	wrdreg s25  }
0x28: {  	[dreg:$0x4] =	wrdreg $0x9  }
0x29: {  	_ =	task.clear_ibuf [dreg:s7], $0x5FFFF;
	_ =	strace $0x90000046  }
0x2a: {  	s29 =	simm.s32 $0x9;
	_ =	strace $0x80000048  }
0x2b: {  	_ =	swait.ge [sflag:s29], $0x1  }
0x2c: {  	[sflag:s29] =	ssyncadd.s32 $0xFFFFFFFF  }
0x2d: {  	_ =	strace $0x90000048  }
0x2e: {  	_ =	sfence  }
0x2f: {  	s30 =	sld [smem:$0x0];
	_ =	sdelay $0x2  }
0x30: {  	s31 =	sshll.u32 s1, $0xD;
	s1 =	sshrl.u32 s1, $0x2  }
0x31: {  	s3 =	sand.u32 $0x4000, s31;
	s1 =	sadd.s32 s1, s30  }
0x32: {  	s0 =	sor.u32 s3, s0;
	s1 =	sshll.u32 s1, $0x11  }
0x33: {  	s0 =	sor.u32 s1, s0  }
0x34: {  	s0 =	sadd.s32 $0x8F2B, s0  }
0x35: {  	[sflag:s0] =	ssyncadd.remote.s32 $0x1  }
0x36: {  	_ =	sfence.sel $0xFFFF  }
0x37: {  	[dreg:$0x0] =	wrdreg $0xFFFFFFFF;
	(pc) =	sbr.abs _section_cstart, $3  }
0x38: {  	[dreg:$0x1] =	wrdreg $0xFFFFFFFF  }
0x39: {  	_ =	task.clear_ibuf [dreg:s7], $0x2FFFF;
	_ =	strace $0x9FFFFFFF  }
0x3a: {  	(tm) =	ssettm $0x7FFFFFFF  }
0x3b: {  	_ =	shalt  }
tec
execute0_lowered:
.L_overlay_start_1:
0x0: {  	(tag) =	ssettag $0x1  }
0x1: {  	s2 =	rddreg [dreg:$0x0];
	s0 =	stileid.u32  }
0x2: {  	s1 =	srdreg.scid;
	s7 =	rddreg [dreg:$0x1];
	s31 =	simm.s32 $0x2  }
0x3: {  	s14 =	simm.s32 $0x0;
	s13 =	simm.s32 $0x0;
	s12 =	simm.s32 $0x0  }
0x4: {  	s3 =	sshll.u32 s0, $0x7;
	s4 =	sshll.u32 s0, $0x4;
	s1 =	sshll.u32 s1, $0x8  }
0x5: {  	s3 =	sand.u32 $0x380, s3;
	s4 =	sor.u32 s4, s1;
	s1 =	rddreg [dreg:$0x2]  }
0x6: {  	_ =	strace $0x80000047;
	s4 =	sand.u32 $0x180, s4;
	s5 =	ssub.s32 $0x400, s3  }
0x7: {  	s6 =	sand.u32 $0x380, s5;
	s8 =	ssub.s32 $0x4000, s4;
	s10 =	sshrl.u32 s5, $0xA  }
0x8: {  	p0 =	sne.s32 s6, $0x0;
	s6 =	simm.s32 $0x1;
	s9 =	sand.u32 $0x180, s8  }
0x9: {  	s6 =	simm.s32 @!p0 $0x0;
	p0 =	sne.s32 s9, $0x0;
	s9 =	simm.s32 $0x1  }
.Ltmp0:
0xa: {  	s8 =	sshrl.u32 s8, $0x9;
	s9 =	simm.s32 @!p0 $0x0;
	(pc) =	sbr.rel .LBB1_1-.Ltmp0, $4  }
0xb: {  	s5 =	simm.s32 $0x1;
	s6 =	sadd.s32 s6, s10;
	s8 =	sadd.s32 s9, s8  }
0xc: {  	s7 =	sadd.s32 $0xC00, s7;
	[sflag:s5] =	ssyncpa.u1 $0x0;
	s6 =	smul.u32 s6, s8  }
0xd: {  	s11 =	smov.u32 s3;
	[sflag:s31] =	ssyncpa.u1 $0x0;
	p0 =	por $0x0, $0x0  }
0xe: {  	s10 =	smov.u32 s4;
	s9 =	simm.s32 $0x2000;
	s8 =	sadd.s32 $0x1, s6  }
.LBB1_4:
0xf: {  	v5 =	vld [tilespmem:s18+$0xFFFFFFD0];
	[tilespmem:s17+$0x2040 ss:$0x81] =	vst.msk $0xffff, v1  }
0x10: {  	v58 =	vld [tilespmem:s18+$0xFFFFFFE0];
	[tilespmem:s17+$0x2850 ss:$0x81] =	vst.msk $0xffff, v2  }
0x11: {  	s19 =	sshra.s32 s19, $0x2;
	v59 =	vld [tilespmem:s18+$0xFFFFFFF0];
	[tilespmem:s17+$0x3060 ss:$0x81] =	vst.msk $0xffff, v3  }
0x12: {  	v60 =	vld [tilespmem:s18+$0x0];
	[tilespmem:s17+$0x0 ss:$0x81] =	vst.msk $0xffff, v0;
	s16 =	sadd.s32 s19, s16  }
0x13: {  	v61 =	vld [tilespmem:s18+$0x10];
	[tilespmem:s16+$0x3870 ss:$0x81] =	vst.msk $0xffff, v4  }
0x14: {  	v62 =	vld [tilespmem:s18+$0x20];
	s26 =	sshll.u32 s14, $0xA;
	s27 =	sshll.u32 s13, $0x3;
	[tilespmem:s16+$0x810 ss:$0x81] =	vst.msk $0xffff, v5  }
0x15: {  	v63 =	vld [tilespmem:s18+$0xFFFFFFC0];
	s29 =	sshll.u32 s14, $0x7;
	s17 =	sand.u32 $0xFFE000, s26;
	s28 =	sand.u32 $0xFFFC00, s27;
	[tilespmem:s16+$0x1020 ss:$0x81] =	vst.msk $0xffff, v58  }
0x16: {  	s30 =	sand.u32 $0x78, s13;
	s14 =	sand.u32 $0x380, s29;
	s17 =	sadd.s32 s28, s17;
	[tilespmem:s16+$0x1830 ss:$0x81] =	vst.msk $0xffff, v59  }
0x17: {  	s14 =	sor.u32 s30, s14;
	s17 =	sand.u32 $0xFFFC00, s17;
	[tilespmem:s16+$0x2040 ss:$0x81] =	vst.msk $0xffff, v60  }
0x18: {  	s31 =	sand.u32 $0x7, s13;
	s14 =	sor.u32 s17, s14;
	[tilespmem:s16+$0x2850 ss:$0x81] =	vst.msk $0xffff, v61  }
0x19: {  	s13 =	sshll.u32 s31, $0x12;
	[tilespmem:s16+$0x3060 ss:$0x81] =	vst.msk $0xffff, v62;
	s14 =	sshrl.u32 s14, $0x3  }
0x1a: {  	s13 =	sor.u32 $0x400, s13;
	[tilespmem:s16+$0x0 ss:$0x81] =	vst.msk $0xffff, v63;
	s14 =	sadd.s32 s7, s14  }
0x1b: {  	[hbm4b:s14+s13] =	stream.strided.scatter [tilespmem:s15], [sflag:$0x2], $0x4000, s9, s13, $0x20;
	[tilespmem:$0x10100] =	vst v63  }
.LBB1_5:
0x1c: {  	s15 =	sadd.s32 $0x200, s10  }
0x1d: {  	s13 =	sadd.s32 $0x400, s11;
	s17 =	smov.u32 s11;
	p2 =	sgt.s32 s15, $0x3FFF  }
0x1e: {  	s17 =	smov.u32 @p2 s13  }
0x1f: {  	s15 =	smov.u32 @p2 s4;
	p2 =	sgt.s32 s17, $0x3FF  }
0x20: {  	s17 =	smov.u32 @p2 s3;
	p2 =	sne.s32 s12, s8  }
.Ltmp1:
0x21: {  	p1 =	slt.u32 s12, $0x2;
	(pc) =	sbr.rel @!p2 .LBB1_6-.Ltmp1, $4  }
0x22: {  	s16 =	simm.s32 @!p1 $0x2  }
0x23: {  	s14 =	smov.u32 s10;
	p0 =	por !p0, !p0;
	_ =	swait.ge @!p1 [sflag:s16], $0x4000  }
0x24: {  	s13 =	smov.u32 s11;
	[sflag:s16] =	ssyncset.done @!p1 $0x0;
	s10 =	smov.u32 s15  }
0x25: {  	s12 =	sadd.s32 $0x1, s12;
	[sflag:s16] =	ssyncadd.s32 @!p1 $0xFFFFC000;
	s11 =	smov.u32 s17  }
.LBB1_1:
0x26: {  	p1 =	sge.u32 s12, s6;
	s31 =	sadd.s32 $0xFFFFFFFF, s12  }
0x27: {  	s15 =	sand.u32 @!p1 $0x78, s10;
	s16 =	sshll.u32 @!p1 s11, $0xE;
	s17 =	sshll.u32 @!p1 s11, $0x7  }
0x28: {  	s18 =	sshll.u32 @!p1 s10, $0x3;
	s16 =	sand.u32 @!p1 $0xFE0000, s16;
	s17 =	sand.u32 @!p1 $0x380, s17  }
0x29: {  	s16 =	sadd.s32 @!p1 s16, s18;
	s18 =	sand.u32 @!p1 $0x3C00, s18;
	s15 =	sor.u32 @!p1 s17, s15  }
0x2a: {  	s17 =	sxor.u32 @!p1 $0xFFFFFFFF, s12;
	s16 =	sand.u32 @!p1 $0xFFC000, s16;
	s15 =	sor.u32 @!p1 s18, s15  }
0x2b: {  	s17 =	sshll.u32 @!p1 s17, $0xE;
	s15 =	sor.u32 @!p1 s16, s15;
	s16 =	sand.u32 @!p1 $0x7, s10  }
0x2c: {  	s18 =	simm.s32 @!p1 $0x20000;
	s15 =	sshrl.u32 @!p1 s15, $0x3;
	s16 =	sshll.u32 @!p1 s16, $0x12  }
0x2d: {  	s17 =	sand.u32 @!p1 $0x4000, s17;
	s15 =	sadd.s32 @!p1 s2, s15;
	s16 =	sor.u32 @!p1 $0x400, s16  }
0x2e: {  	[tilespmem:s17], [sflag:$0x1] =	stream.strided.gather @!p1 [hbm4b:s15+s16], $0x4000, s18, s16, $0x38;
	[tilespmem:$0x10100] =	vst v63  }
0x2f: {  	p1 =	sge.u32 s31, s6  }
.Ltmp2:
0x30: {  	_ = 	snop;
	(pc) =	sbr.rel @p1 .LBB1_5-.Ltmp2, $1  }
0x31: {  	_ =	sdelay $0x3  }
0x32: {  	s15 =	simm.s32 $0x1  }
0x33: {  	_ =	swait.ge [sflag:s5], $0x4000;
	s15 =	simm.s32 @!p0 $0x0  }
0x34: {  	[sflag:s5] =	ssyncset.done $0x0;
	s16 =	sshll.u32 s15, $0xE  }
0x35: {  	[sflag:s5] =	ssyncadd.s32 $0xFFFFC000;
	s18 =	sor.u32 $0x40, s16  }
0x36: {  	s15 =	smul.u32 $0x10200, s15;
	v0 =	vld [tilespmem:s18+$0x30]  }
0x37: {  	v3 =	vld [tilespmem:s18+$0xFFFFFFD0]  }
0x38: {  	s15 =	sshrl.u32 s15, $0x2;
	v4 =	vld [tilespmem:s18+$0xFFFFFFE0]  }
0x39: {  	v5 =	vld [tilespmem:s18+$0xFFFFFFF0];
	s16 =	sor.u32 $0x8000, s15  }
0x3a: {  	s31 =	sand.u32 $0x1, s12;
	v1 =	vld [tilespmem:s18+$0x0];
	s17 =	sadd.s32 $0x0, s16  }
0x3b: {  	v2 =	vld [tilespmem:s18+$0x10];
	s15 =	smul.u32 $0x10200, s31;
	[tilespmem:s17+$0x3870 ss:$0x81] =	vst.msk $0xffff, v0  }
0x3c: {  	[tilespmem:s17+$0x810 ss:$0x81] =	vst.msk $0xffff, v3;
	v3 =	vld [tilespmem:s18+$0x20]  }
0x3d: {  	s15 =	sshrl.u32 s15, $0x2;
	v0 =	vld [tilespmem:s18+$0xFFFFFFC0];
	[tilespmem:s17+$0x1020 ss:$0x81] =	vst.msk $0xffff, v4;
	s18 =	sadd.s32 $0x80, s18  }
0x3e: {  	s19 =	simm.s32 $0x4;
	s20 =	simm.s32 $0x8;
	s15 =	sor.u32 $0x8000, s15;
	[tilespmem:s17+$0x1830 ss:$0x81] =	vst.msk $0xffff, v5;
	v4 =	vld [tilespmem:s18+$0x30]  }
.LBB1_3:
0x3f: {  	p1 =	sne.s32 s20, $0x1FC;
	v5 =	vld [tilespmem:s18+$0xFFFFFFD0];
	[tilespmem:s17+$0x2040 ss:$0x81] =	vst.msk $0xffff, v1  }
0x40: {  	v6 =	vld [tilespmem:s18+$0xFFFFFFE0];
	[tilespmem:s17+$0x2850 ss:$0x81] =	vst.msk $0xffff, v2  }
0x41: {  	s21 =	sshra.s32 s19, $0x2;
	s19 =	smov.u32 s20;
	v7 =	vld [tilespmem:s18+$0xFFFFFFF0];
	[tilespmem:s17+$0x3060 ss:$0x81] =	vst.msk $0xffff, v3  }
.Ltmp3:
0x42: {  	v1 =	vld [tilespmem:s18+$0x0];
	[tilespmem:s17+$0x0 ss:$0x81] =	vst.msk $0xffff, v0;
	s17 =	sadd.s32 s21, s16;
	(pc) =	sbr.rel @p1 .LBB1_3-.Ltmp3, $4  }
0x43: {  	v2 =	vld [tilespmem:s18+$0x10];
	[tilespmem:s17+$0x3870 ss:$0x81] =	vst.msk $0xffff, v4  }
0x44: {  	[tilespmem:s17+$0x810 ss:$0x81] =	vst.msk $0xffff, v5;
	v3 =	vld [tilespmem:s18+$0x20]  }
0x45: {  	v0 =	vld [tilespmem:s18+$0xFFFFFFC0];
	[tilespmem:s17+$0x1020 ss:$0x81] =	vst.msk $0xffff, v6;
	s18 =	sadd.s32 $0x80, s18  }
0x46: {  	s20 =	sadd.s32 $0x4, s20;
	v4 =	vld [tilespmem:s18+$0x30];
	[tilespmem:s17+$0x1830 ss:$0x81] =	vst.msk $0xffff, v7  }
.Ltmp4:
0x47: {  	_ = 	snop;
	(pc) =	sbr.rel .LBB1_4-.Ltmp4, $1  }
0x48: {  	_ =	sdelay $0x3  }
.LBB1_6:
0x49: {  	_ =	sfence.sel $0x180000  }
0x4a: {  	s2 =	simm.s32 $0x1;
	[bflag:$0x0] =	sbarrier.arrive $0xFFFF  }
0x4b: {  	s31 =	simm.s32 $0x2;
	[sflag:s2] =	ssyncpa.u1 $0x1  }
0x4c: {  	[sflag:s31] =	ssyncpa.u1 $0x1  }
0x4d: {  	p0 =	sne.s32 s0, $0x0;
	_ =	strace $0x90000047  }
0x4e: {  	s0 =	sadd.s32 @!p0 $0x100000, s1;
	[bflag:$0x2] =	sbarrier.arrive $0xFFFF  }
0x4f: {  	[sflag:s0] =	ssyncadd.tile.s32 @!p0 $0x1;
	_ =	shalt  }
.Lfunc_end1:
_tile_overlayer_lowered:
.L_overlay_start_2:
0x50: {  	(tag) =	ssettag $0x2  }
0x51: {  	s0 =	rddreg [dreg:$0x0];
	s2 =	stileid.u32  }
0x52: {  	s1 =	rddreg [dreg:$0x1];
	p0 =	sne.s32 s2, $0x0  }
0x53: {  	s3 =	rddreg [dreg:$0x2];
	[bflag:$0x3] =	sbarrier.arrive $0xFFFF;
	s2 =	simm.s32 @!p0 $0x1C01  }
0x54: {  	[timem:s3], [sflag:s2] =	dma.local @!p0 [hbm:s0], s1  }
0x55: {  	s0 =	simm.s32 @!p0 $0x1  }
0x56: {  	_ =	swait.ge @!p0 [sflag:s0], s1  }
0x57: {  	s1 =	ssub.s32 @!p0 $0x0, s1;
	[sflag:s0] =	ssyncset.done @!p0 $0x0  }
0x58: {  	[sflag:s0] =	ssyncadd.s32 @!p0 s1  }
0x59: {  	[bflag:$0x3] =	sbarrier.arrive $0xFFFF  }
0x5a: {  	_ =	shalt  }

</sc_bundles>
